<compile_context>
chip_gen: v7x
topology: tpu7x:2x2x1
jax: 0.10.2.dev20260603
libtpu: 0.0.44.dev20260713+nightly
codegen_flags: <defaults>
</compile_context>

<pallas_src>
import functools

import jax
import jax.numpy as jnp
from jax import lax
from jax.experimental import pallas as pl
from jax.experimental.pallas import tpu as pltpu
from jax.experimental.pallas import tpu_sc as plsc

_NC = 2
_NS = 16
_NW = _NC * _NS

_SUB = 128


@functools.partial(jax.jit, static_argnames=("n", "d"))
def _sc_gather(idx_flat, table, n, d):
    v = table.shape[0]
    n_per_w = n // _NW
    n_chunks = n_per_w // _SUB
    n_pairs = n_chunks // 2

    mesh = plsc.VectorSubcoreMesh(core_axis_name="c", subcore_axis_name="s")

    @functools.partial(
        pl.kernel,
        out_type=jax.ShapeDtypeStruct((n, d), jnp.float32),
        mesh=mesh,
        scratch_types=[
            pltpu.VMEM((n_per_w,), jnp.int32),
            pltpu.VMEM_SHARED((v, d), jnp.float32),
            pltpu.VMEM((_SUB, d), jnp.float32),
            pltpu.VMEM((_SUB, d), jnp.float32),
            pltpu.SemaphoreType.DMA,
            pltpu.SemaphoreType.DMA,
            pltpu.SemaphoreType.DMA,
            pltpu.SemaphoreType.DMA,
        ],
    )
    def k(idx_hbm, table_hbm, out_hbm, idx_v, table_v, rows0, rows1,
          g0, g1, w0, w1):
        wid = lax.axis_index("s") * _NC + lax.axis_index("c")
        base = wid * n_per_w

        pltpu.async_copy(idx_hbm.at[pl.ds(base, n_per_w)], idx_v, g0)

        @pl.when(lax.axis_index("s") == 0)
        def _():
            pltpu.sync_copy(table_hbm, table_v)

        plsc.subcore_barrier()
        pltpu.make_async_copy(idx_hbm.at[pl.ds(0, n_per_w)], idx_v, g0).wait()

        def g0_start(c):
            pltpu.async_copy(table_v.at[idx_v.at[pl.ds(c * _SUB, _SUB)]],
                             rows0, g0)

        def g0_wait():
            pltpu.make_async_copy(table_v.at[idx_v.at[pl.ds(0, _SUB)]],
                                  rows0, g0).wait()

        def g1_start(c):
            pltpu.async_copy(table_v.at[idx_v.at[pl.ds(c * _SUB, _SUB)]],
                             rows1, g1)

        def g1_wait():
            pltpu.make_async_copy(table_v.at[idx_v.at[pl.ds(0, _SUB)]],
                                  rows1, g1).wait()

        def w0_start(c):
            pltpu.async_copy(rows0, out_hbm.at[pl.ds(base + c * _SUB, _SUB)],
                             w0)

        def w0_wait():
            pltpu.make_async_copy(rows0, out_hbm.at[pl.ds(base, _SUB)],
                                  w0).wait()

        def w1_start(c):
            pltpu.async_copy(rows1, out_hbm.at[pl.ds(base + c * _SUB, _SUB)],
                             w1)

        def w1_wait():
            pltpu.make_async_copy(rows1, out_hbm.at[pl.ds(base, _SUB)],
                                  w1).wait()

        g0_start(0)

        def pair(r, carry):
            @pl.when(r > 0)
            def _():
                w1_wait()

            g1_start(2 * r + 1)
            g0_wait()
            w0_start(2 * r)

            w0_wait()

            @pl.when(r + 1 < n_pairs)
            def _():
                g0_start(2 * r + 2)

            g1_wait()
            w1_start(2 * r + 1)
            return carry

        lax.fori_loop(0, n_pairs, pair, 0)
        w1_wait()

    return k(idx_flat, table)


def kernel(actions, embed_weight):
    b, a, l = actions.shape
    v, d = embed_weight.shape
    n = b * a * l
    out = _sc_gather(actions.reshape(n), embed_weight, n, d)
    return out.reshape(b, a * l, d)

# --- scband reference (transcript-rebuilt; emitter-appended) ---
"""Pipeline reference for scband-embedding-34428457845363 (READ-ONLY COPY).

The authoritative reference and input builder live on the scoring server;
editing this copy changes nothing except your own understanding.
"""

import jax, jax.numpy as jnp
import numpy as np


def setup_inputs(seed: int = 0) -> dict:
    key = jax.random.key(seed)
    k1, k2 = jax.random.split(key)
    actions = jax.random.randint(k1, (1024, 26, 20), 0, 10, dtype=jnp.int32)
    embed_weight = jax.random.normal(k2, (10, 128), dtype=jnp.float32)
    return {"actions": actions, "embed_weight": embed_weight}


def reference(actions, embed_weight):
    # Faithful translation of the torch forward:
    #   for each agent a: embed(actions[:, a, :]) -> [B, L, D]
    #   torch.cat(action_vec, dim=1)            -> [B, A*L, D]
    # Gather from embedding table, then concat along axis 1 == reshape.
    vecs = jnp.take(embed_weight, actions, axis=0)  # [B, A, L, D]
    B, A, L, D = vecs.shape
    return vecs.reshape(B, A * L, D)

if __name__ == "__main__":
    import jax
    _d = setup_inputs()
    print(jax.jit(kernel)(*tuple(_d.values())))

</pallas_src>

<mosaic_0001>
#map = affine_map<(d0, d1) -> (0)>
#map1 = affine_map<(d0, d1) -> (0, 0)>
module attributes {stable_mosaic.version = 14 : i64} {
  func.func @k(%arg0: i32, %arg1: i32, %arg2: memref<532480xi32, #tpu.memory_space<hbm>>, %arg3: memref<10x128xf32, #tpu.memory_space<hbm>>, %arg4: memref<532480x128xf32, #tpu.memory_space<hbm>>, %arg5: memref<16640xi32, #tpu.memory_space<vmem>>, %arg6: memref<10x128xf32, #tpu.memory_space<vmem_shared>>, %arg7: memref<128x128xf32, #tpu.memory_space<vmem>>, %arg8: memref<128x128xf32, #tpu.memory_space<vmem>>, %arg9: memref<!tpu.dma_semaphore, #tpu.memory_space<semaphore_mem>>, %arg10: memref<!tpu.dma_semaphore, #tpu.memory_space<semaphore_mem>>, %arg11: memref<!tpu.dma_semaphore, #tpu.memory_space<semaphore_mem>>, %arg12: memref<!tpu.dma_semaphore, #tpu.memory_space<semaphore_mem>>) attributes {dimension_semantics = [#tpu.dimension_semantics<core_parallel>, #tpu.dimension_semantics<subcore_parallel>], iteration_bounds = array<i64: 2, 16>, scalar_prefetch = 0 : i64, scratch_operands = 8 : i64, tpu.core_type = #tpu.core_type<sc_vector_subcore>, window_params = [{transform_indices = #map}, {transform_indices = #map1}, {transform_indices = #map1}]} {
    %mul3A = arith.constant 2 : i32
    %mul3A_0 = arith.muli %arg1, %mul3A : i32
    %add3A = arith.addi %mul3A_0, %arg0 : i32
    %mul3A_1 = arith.constant 16640 : i32
    %mul3A_2 = arith.muli %add3A, %mul3A_1 : i32
    %dma_start3A = tpu.memref_slice %arg2[%mul3A_2] : memref<532480xi32, #tpu.memory_space<hbm>> -> memref<16640xi32, #tpu.memory_space<hbm>>
    %dma_start3A_3 = tpu.memref_slice %arg2[%mul3A_2] : memref<532480xi32, #tpu.memory_space<hbm>> -> memref<16640xi32, #tpu.memory_space<hbm>>
    tpu.enqueue_dma source(%dma_start3A_3 : memref<16640xi32, #tpu.memory_space<hbm>>) target(%arg5 : memref<16640xi32, #tpu.memory_space<vmem>>) target_semaphore(%arg9 : memref<!tpu.dma_semaphore, #tpu.memory_space<semaphore_mem>>)
    %eq3A = arith.constant 0 : i32
    %eq3A_4 = arith.cmpi eq, %arg1, %eq3A : i32
    %convert_element_type3A = arith.extui %eq3A_4 : i1 to i32
    %cond3A = arith.constant 0 : i32
    %cond3A_5 = arith.cmpi ne, %convert_element_type3A, %cond3A : i32
    scf.if %cond3A_5 {
      "tpu.region"() ({
        %run_scoped3A = tpu.sem_alloc : memref<!tpu.dma_semaphore, #tpu.memory_space<semaphore_mem>>
        tpu.enqueue_dma source(%arg3 : memref<10x128xf32, #tpu.memory_space<hbm>>) target(%arg6 : memref<10x128xf32, #tpu.memory_space<vmem_shared>>) target_semaphore(%run_scoped3A : memref<!tpu.dma_semaphore, #tpu.memory_space<semaphore_mem>>)
        tpu.wait_dma2 semaphore(%run_scoped3A : memref<!tpu.dma_semaphore, #tpu.memory_space<semaphore_mem>>) src(%arg3 : memref<10x128xf32, #tpu.memory_space<hbm>>) dst(%arg6 : memref<10x128xf32, #tpu.memory_space<vmem_shared>>)
        tpu.yield
      }) : () -> ()
    } else {
    }
    %barrier3A = arith.constant 0 : index
    tpu.barrier barrier_id(%barrier3A)
    %dma_wait3A = arith.constant 0 : i32
    %dma_wait3A_6 = tpu.memref_slice %arg2[%dma_wait3A] : memref<532480xi32, #tpu.memory_space<hbm>> -> memref<16640xi32, #tpu.memory_space<hbm>>
    %dma_wait3A_7 = arith.constant 0 : i32
    %dma_wait3A_8 = tpu.memref_slice %arg2[%dma_wait3A_7] : memref<532480xi32, #tpu.memory_space<hbm>> -> memref<16640xi32, #tpu.memory_space<hbm>>
    tpu.wait_dma2 semaphore(%arg9 : memref<!tpu.dma_semaphore, #tpu.memory_space<semaphore_mem>>) src(%dma_wait3A_8 : memref<16640xi32, #tpu.memory_space<hbm>>) dst(%arg5 : memref<16640xi32, #tpu.memory_space<vmem>>)
    %dma_start3A_9 = arith.constant 0 : i32
    %dma_start3A_10 = tpu.memref_slice %arg5[%dma_start3A_9] : memref<16640xi32, #tpu.memory_space<vmem>> -> memref<128xi32, #tpu.memory_space<vmem>>
    %dma_start3A_11 = arith.constant 0 : i32
    %dma_start3A_12 = arith.constant 0 : i32
    %dma_start3A_13 = tpu.memref_slice %arg6[%dma_start3A_11, %dma_start3A_12] : memref<10x128xf32, #tpu.memory_space<vmem_shared>> -> memref<10x128xf32, #tpu.memory_space<vmem_shared>>
    tpu.enqueue_indirect_dma source(%dma_start3A_13 : memref<10x128xf32, #tpu.memory_space<vmem_shared>>) target(%arg7 : memref<128x128xf32, #tpu.memory_space<vmem>>) offsets(%dma_start3A_10 : memref<128xi32, #tpu.memory_space<vmem>>) semaphore(%arg9 : memref<!tpu.dma_semaphore, #tpu.memory_space<semaphore_mem>>)
    %scan3A = arith.constant 0 : i32
    %scan3A_14 = arith.constant 0 : i32
    %scan3A_15 = arith.constant 65 : i32
    %scan3A_16 = arith.addi %scan3A_14, %scan3A_15 : i32
    %scan3A_17 = arith.constant 1 : i32
    scf.for %scan3A_23 = %scan3A_14 to %scan3A_16 step %scan3A_17  : i32 {
      %gt3A = arith.constant 0 : i32
      %gt3A_24 = arith.cmpi sgt, %scan3A_23, %gt3A : i32
      %convert_element_type3A_25 = arith.extui %gt3A_24 : i1 to i32
      %cond3A_26 = arith.constant 0 : i32
      %cond3A_27 = arith.cmpi ne, %convert_element_type3A_25, %cond3A_26 : i32
      scf.if %cond3A_27 {
        %dma_wait3A_78 = arith.constant 0 : i32
        %dma_wait3A_79 = tpu.memref_slice %arg4[%mul3A_2, %dma_wait3A_78] : memref<532480x128xf32, #tpu.memory_space<hbm>> -> memref<128x128xf32, #tpu.memory_space<hbm>>
        %dma_wait3A_80 = arith.constant 0 : i32
        %dma_wait3A_81 = tpu.memref_slice %arg4[%mul3A_2, %dma_wait3A_80] : memref<532480x128xf32, #tpu.memory_space<hbm>> -> memref<128x128xf32, #tpu.memory_space<hbm>>
        tpu.wait_dma2 semaphore(%arg12 : memref<!tpu.dma_semaphore, #tpu.memory_space<semaphore_mem>>) src(%arg8 : memref<128x128xf32, #tpu.memory_space<vmem>>) dst(%dma_wait3A_81 : memref<128x128xf32, #tpu.memory_space<hbm>>)
      } else {
      }
      %mul3A_28 = arith.constant 2 : i32
      %mul3A_29 = arith.muli %mul3A_28, %scan3A_23 : i32
      %add3A_30 = arith.constant 1 : i32
      %add3A_31 = arith.addi %mul3A_29, %add3A_30 : i32
      %mul3A_32 = arith.constant 128 : i32
      %mul3A_33 = arith.muli %add3A_31, %mul3A_32 : i32
      %dma_start3A_34 = tpu.memref_slice %arg5[%mul3A_33] : memref<16640xi32, #tpu.memory_space<vmem>> -> memref<128xi32, #tpu.memory_space<vmem>>
      %dma_start3A_35 = arith.constant 0 : i32
      %dma_start3A_36 = arith.constant 0 : i32
      %dma_start3A_37 = tpu.memref_slice %arg6[%dma_start3A_35, %dma_start3A_36] : memref<10x128xf32, #tpu.memory_space<vmem_shared>> -> memref<10x128xf32, #tpu.memory_space<vmem_shared>>
      tpu.enqueue_indirect_dma source(%dma_start3A_37 : memref<10x128xf32, #tpu.memory_space<vmem_shared>>) target(%arg8 : memref<128x128xf32, #tpu.memory_space<vmem>>) offsets(%dma_start3A_34 : memref<128xi32, #tpu.memory_space<vmem>>) semaphore(%arg10 : memref<!tpu.dma_semaphore, #tpu.memory_space<semaphore_mem>>)
      %dma_wait3A_38 = arith.constant 0 : i32
      %dma_wait3A_39 = tpu.memref_slice %arg5[%dma_wait3A_38] : memref<16640xi32, #tpu.memory_space<vmem>> -> memref<128xi32, #tpu.memory_space<vmem>>
      %dma_wait3A_40 = arith.constant 0 : i32
      %dma_wait3A_41 = arith.constant 0 : i32
      %dma_wait3A_42 = tpu.memref_slice %arg6[%dma_wait3A_40, %dma_wait3A_41] : memref<10x128xf32, #tpu.memory_space<vmem_shared>> -> memref<10x128xf32, #tpu.memory_space<vmem_shared>>
      tpu.wait_indirect_dma semaphore(%arg9 : memref<!tpu.dma_semaphore, #tpu.memory_space<semaphore_mem>>) src(%dma_wait3A_42 : memref<10x128xf32, #tpu.memory_space<vmem_shared>>) dst(%arg7 : memref<128x128xf32, #tpu.memory_space<vmem>>)
      %mul3A_43 = arith.constant 2 : i32
      %mul3A_44 = arith.muli %mul3A_43, %scan3A_23 : i32
      %mul3A_45 = arith.constant 128 : i32
      %mul3A_46 = arith.muli %mul3A_44, %mul3A_45 : i32
      %add3A_47 = arith.addi %mul3A_2, %mul3A_46 : i32
      %dma_start3A_48 = arith.constant 0 : i32
      %dma_start3A_49 = tpu.memref_slice %arg4[%add3A_47, %dma_start3A_48] : memref<532480x128xf32, #tpu.memory_space<hbm>> -> memref<128x128xf32, #tpu.memory_space<hbm>>
      %dma_start3A_50 = arith.constant 0 : i32
      %dma_start3A_51 = tpu.memref_slice %arg4[%add3A_47, %dma_start3A_50] : memref<532480x128xf32, #tpu.memory_space<hbm>> -> memref<128x128xf32, #tpu.memory_space<hbm>>
      tpu.enqueue_dma source(%arg7 : memref<128x128xf32, #tpu.memory_space<vmem>>) target(%dma_start3A_51 : memref<128x128xf32, #tpu.memory_space<hbm>>) target_semaphore(%arg11 : memref<!tpu.dma_semaphore, #tpu.memory_space<semaphore_mem>>)
      %dma_wait3A_52 = arith.constant 0 : i32
      %dma_wait3A_53 = tpu.memref_slice %arg4[%mul3A_2, %dma_wait3A_52] : memref<532480x128xf32, #tpu.memory_space<hbm>> -> memref<128x128xf32, #tpu.memory_space<hbm>>
      %dma_wait3A_54 = arith.constant 0 : i32
      %dma_wait3A_55 = tpu.memref_slice %arg4[%mul3A_2, %dma_wait3A_54] : memref<532480x128xf32, #tpu.memory_space<hbm>> -> memref<128x128xf32, #tpu.memory_space<hbm>>
      tpu.wait_dma2 semaphore(%arg11 : memref<!tpu.dma_semaphore, #tpu.memory_space<semaphore_mem>>) src(%arg7 : memref<128x128xf32, #tpu.memory_space<vmem>>) dst(%dma_wait3A_55 : memref<128x128xf32, #tpu.memory_space<hbm>>)
      %add3A_56 = arith.constant 1 : i32
      %add3A_57 = arith.addi %scan3A_23, %add3A_56 : i32
      %lt3A = arith.constant 65 : i32
      %lt3A_58 = arith.cmpi slt, %add3A_57, %lt3A : i32
      %convert_element_type3A_59 = arith.extui %lt3A_58 : i1 to i32
      %cond3A_60 = arith.constant 0 : i32
      %cond3A_61 = arith.cmpi ne, %convert_element_type3A_59, %cond3A_60 : i32
      scf.if %cond3A_61 {
        %mul3A_78 = arith.constant 2 : i32
        %mul3A_79 = arith.muli %mul3A_78, %scan3A_23 : i32
        %add3A_80 = arith.constant 2 : i32
        %add3A_81 = arith.addi %mul3A_79, %add3A_80 : i32
        %mul3A_82 = arith.constant 128 : i32
        %mul3A_83 = arith.muli %add3A_81, %mul3A_82 : i32
        %dma_start3A_84 = tpu.memref_slice %arg5[%mul3A_83] : memref<16640xi32, #tpu.memory_space<vmem>> -> memref<128xi32, #tpu.memory_space<vmem>>
        %dma_start3A_85 = arith.constant 0 : i32
        %dma_start3A_86 = arith.constant 0 : i32
        %dma_start3A_87 = tpu.memref_slice %arg6[%dma_start3A_85, %dma_start3A_86] : memref<10x128xf32, #tpu.memory_space<vmem_shared>> -> memref<10x128xf32, #tpu.memory_space<vmem_shared>>
        tpu.enqueue_indirect_dma source(%dma_start3A_87 : memref<10x128xf32, #tpu.memory_space<vmem_shared>>) target(%arg7 : memref<128x128xf32, #tpu.memory_space<vmem>>) offsets(%dma_start3A_84 : memref<128xi32, #tpu.memory_space<vmem>>) semaphore(%arg9 : memref<!tpu.dma_semaphore, #tpu.memory_space<semaphore_mem>>)
      } else {
      }
      %dma_wait3A_62 = arith.constant 0 : i32
      %dma_wait3A_63 = tpu.memref_slice %arg5[%dma_wait3A_62] : memref<16640xi32, #tpu.memory_space<vmem>> -> memref<128xi32, #tpu.memory_space<vmem>>
      %dma_wait3A_64 = arith.constant 0 : i32
      %dma_wait3A_65 = arith.constant 0 : i32
      %dma_wait3A_66 = tpu.memref_slice %arg6[%dma_wait3A_64, %dma_wait3A_65] : memref<10x128xf32, #tpu.memory_space<vmem_shared>> -> memref<10x128xf32, #tpu.memory_space<vmem_shared>>
      tpu.wait_indirect_dma semaphore(%arg10 : memref<!tpu.dma_semaphore, #tpu.memory_space<semaphore_mem>>) src(%dma_wait3A_66 : memref<10x128xf32, #tpu.memory_space<vmem_shared>>) dst(%arg8 : memref<128x128xf32, #tpu.memory_space<vmem>>)
      %mul3A_67 = arith.constant 2 : i32
      %mul3A_68 = arith.muli %mul3A_67, %scan3A_23 : i32
      %add3A_69 = arith.constant 1 : i32
      %add3A_70 = arith.addi %mul3A_68, %add3A_69 : i32
      %mul3A_71 = arith.constant 128 : i32
      %mul3A_72 = arith.muli %add3A_70, %mul3A_71 : i32
      %add3A_73 = arith.addi %mul3A_2, %mul3A_72 : i32
      %dma_start3A_74 = arith.constant 0 : i32
      %dma_start3A_75 = tpu.memref_slice %arg4[%add3A_73, %dma_start3A_74] : memref<532480x128xf32, #tpu.memory_space<hbm>> -> memref<128x128xf32, #tpu.memory_space<hbm>>
      %dma_start3A_76 = arith.constant 0 : i32
      %dma_start3A_77 = tpu.memref_slice %arg4[%add3A_73, %dma_start3A_76] : memref<532480x128xf32, #tpu.memory_space<hbm>> -> memref<128x128xf32, #tpu.memory_space<hbm>>
      tpu.enqueue_dma source(%arg8 : memref<128x128xf32, #tpu.memory_space<vmem>>) target(%dma_start3A_77 : memref<128x128xf32, #tpu.memory_space<hbm>>) target_semaphore(%arg12 : memref<!tpu.dma_semaphore, #tpu.memory_space<semaphore_mem>>)
    }
    %scan3A_18 = arith.constant 65 : i32
    %dma_wait3A_19 = arith.constant 0 : i32
    %dma_wait3A_20 = tpu.memref_slice %arg4[%mul3A_2, %dma_wait3A_19] : memref<532480x128xf32, #tpu.memory_space<hbm>> -> memref<128x128xf32, #tpu.memory_space<hbm>>
    %dma_wait3A_21 = arith.constant 0 : i32
    %dma_wait3A_22 = tpu.memref_slice %arg4[%mul3A_2, %dma_wait3A_21] : memref<532480x128xf32, #tpu.memory_space<hbm>> -> memref<128x128xf32, #tpu.memory_space<hbm>>
    tpu.wait_dma2 semaphore(%arg12 : memref<!tpu.dma_semaphore, #tpu.memory_space<semaphore_mem>>) src(%arg8 : memref<128x128xf32, #tpu.memory_space<vmem>>) dst(%dma_wait3A_22 : memref<128x128xf32, #tpu.memory_space<hbm>>)
    return
  }
}

</mosaic_0001>

<sc_bundles>
// kernel: _sc_gather.3.cloned.1.call-start
scs
__scs_entry_jumppad:
0x0: {  	(pc) =	sbr.rel $0x88, $3  }
0x1: {  	(tag) =	ssettag $0x0;
	lr =	simm.s32 $0x1  }
0x2: {  	[smem:$0x3F9F] =	sst lr;
	_ =	strace $0xD0000000  }
0x3: {  	_ = 	snop  }
0x4: {  	_ = 	snop  }
0x5: {  	_ = 	snop  }
0x6: {  	_ = 	snop  }
0x7: {  	_ = 	snop  }
__scs_overlays_trampoline_lowered:
0x8: {  	[smem:$0x3FAE] =	sst s0  }
0x9: {  	[smem:$0x3FAF] =	sst s1  }
0xa: {  	[smem:$0x3FB0] =	sst s2  }
0xb: {  	[smem:$0x3FB1] =	sst s3  }
0xc: {  	[smem:$0x3FB2] =	sst s4  }
0xd: {  	[smem:$0x3FB3] =	sst s5  }
0xe: {  	[smem:$0x3FB4] =	sst s6  }
0xf: {  	[smem:$0x3FB5] =	sst s7  }
0x10: {  	[smem:$0x3FB6] =	sst s8  }
0x11: {  	[smem:$0x3FB7] =	sst s9;
	s0 =	simm.s32 @!p0 $0x0  }
0x12: {  	s1 =	sld [smem:$0x3F9D];
	s0 =	simm.s32 @p0 $0x1  }
0x13: {  	[smem:$0x3FB8] =	sst s0;
	s0 =	simm.s32 @!p1 $0x0  }
0x14: {  	s2 =	sld [smem:$0x3F9C];
	s0 =	simm.s32 @p1 $0x1  }
0x15: {  	[smem:$0x3FB9] =	sst s0;
	s0 =	simm.s32 @!p2 $0x0  }
0x16: {  	s3 =	sld [smem:$0x3FDB];
	s0 =	simm.s32 @p2 $0x1  }
0x17: {  	s4 =	simm.s32 $0x1BF5;
	[smem:$0x3FBB] =	sst s0  }
0x18: {  	s0 =	sld [smem:$0x3F9E];
	_ =	swait.ge [sflag:s4], $0x0  }
0x19: {  	s7 =	sld [smem:$0x3F9F]  }
0x1a: {  	s8 =	sadd.s32 $0xFFFFE003, lr  }
0x1b: {  	s9 =	sadd.s32 $0xFFFFFEF7, lr;
	s5 =	simm.s32 $0xFFFFFFFF;
	p2 =	slt.u32 s8, $0xFFFFF086  }
0x1c: {  	p1 =	slt.u32 s9, $0xF7A;
	s5 =	simm.s32 @!p2 $0x0  }
0x1d: {  	s5 =	simm.s32 @p1 $0x1;
	p0 =	seq.s32 s7, s2  }
0x1e: {  	s7 =	smul.u32 @!p0 $0xF7A, s2;
	p2 =	seq.s32 @!p0 s5, $0x0  }
0x1f: {  	s9 =	smul.u32 $0xF7A, s1;
	s8 =	simm.s32 @!p0 $0x1BF5;
	p2 =	por !p2, p0  }
0x20: {  	[sflag:s8] =	ssyncset.s32 @!p0 $0xFFFFF086;
	s6 =	sadd.s32 @!p0 s3, s7;
	s7 =	simm.s32 @!p0 $0x108  }
0x21: {  	s3 =	sadd.s32 s3, s9;
	s6 =	sadd.s32 @!p0 $0x88, s6;
	s7 =	simm.s32 @p2 $0x1082  }
0x22: {  	[simem:s7], [sflag:s8] =	dma.local @!p0 [hbm:s6], $0xF7A  }
0x23: {  	s9 =	sor.u32 $0xD0000000, s2;
	s6 =	simm.s32 $0x108;
	_ =	swait.ge @!p0 [sflag:s8], $0x0  }
0x24: {  	s3 =	sadd.s32 $0x88, s3;
	s6 =	simm.s32 @!p1 $0x1082;
	[sflag:s4] =	ssyncset.s32 $0xFFFFF086  }
0x25: {  	[simem:s6], [sflag:s4] =	dma.local [hbm:s3], $0xF7A  }
0x26: {  	[smem:$0x3F9F] =	sst s1;
	(tag) =	ssettag s2;
	_ =	strace s9  }
0x27: {  	s1 =	sld [smem:$0x3FAF]  }
0x28: {  	s2 =	sld [smem:$0x3FB0]  }
0x29: {  	s4 =	sld [smem:$0x3FB2]  }
0x2a: {  	p0 =	seq.s32 s5, $0x0;
	s5 =	sld [smem:$0x3FB3]  }
0x2b: {  	s6 =	sld [smem:$0x3FB4]  }
0x2c: {  	s7 =	sld [smem:$0x3FB5]  }
0x2d: {  	s3 =	simm.s32 $0x108;
	s8 =	sld [smem:$0x3FB6]  }
0x2e: {  	s3 =	simm.s32 @!p0 $0x1082;
	s9 =	sld [smem:$0x3FB7]  }
0x2f: {  	lr =	sadd.s32 s0, s3;
	s0 =	sld [smem:$0x3FAE]  }
0x30: {  	s3 =	sld [smem:$0x3FB1]  }
0x31: {  	[smem:$0x3FBA] =	sst s10  }
0x32: {  	s10 =	sld [smem:$0x3FB8];
	_ =	sdelay $0x3  }
0x33: {  	p0 =	seq.s32 s10, $0x1;
	s10 =	sld [smem:$0x3FBA];
	_ =	sdelay $0x3  }
0x34: {  	[smem:$0x3FBA] =	sst s10  }
0x35: {  	s10 =	sld [smem:$0x3FB9];
	_ =	sdelay $0x3  }
0x36: {  	p1 =	seq.s32 s10, $0x1;
	s10 =	sld [smem:$0x3FBA];
	_ =	sdelay $0x3  }
0x37: {  	[smem:$0x3FBA] =	sst s10  }
0x38: {  	s10 =	sld [smem:$0x3FBB]  }
0x39: {  	_ = 	snop;
	(pc) =	sbr.ind lr, $3  }
0x3a: {  	_ = 	snop  }
0x3b: {  	_ = 	snop  }
0x3c: {  	p2 =	seq.s32 s10, $0x1;
	s10 =	sld [smem:$0x3FBA]  }
0x3d: {  	_ =	shalt  }
0x3e: {  	_ =	shalt  }
0x3f: {  	_ =	shalt  }
0x40: {  	_ =	shalt  }
0x41: {  	_ =	shalt  }
0x42: {  	_ =	shalt  }
0x43: {  	_ =	shalt  }
0x44: {  	_ =	shalt  }
0x45: {  	_ =	shalt  }
0x46: {  	_ =	shalt  }
0x47: {  	_ =	shalt  }
0x48: {  	_ =	shalt  }
0x49: {  	_ =	shalt  }
0x4a: {  	_ =	shalt  }
0x4b: {  	_ =	shalt  }
0x4c: {  	_ =	shalt  }
0x4d: {  	_ =	shalt  }
0x4e: {  	_ =	shalt  }
0x4f: {  	_ =	shalt  }
0x50: {  	_ =	shalt  }
0x51: {  	_ =	shalt  }
0x52: {  	_ =	shalt  }
0x53: {  	_ =	shalt  }
0x54: {  	_ =	shalt  }
0x55: {  	_ =	shalt  }
0x56: {  	_ =	shalt  }
0x57: {  	_ =	shalt  }
0x58: {  	_ =	shalt  }
0x59: {  	_ =	shalt  }
0x5a: {  	_ =	shalt  }
0x5b: {  	_ =	shalt  }
0x5c: {  	_ =	shalt  }
0x5d: {  	_ =	shalt  }
0x5e: {  	_ =	shalt  }
0x5f: {  	_ =	shalt  }
0x60: {  	_ =	shalt  }
0x61: {  	_ =	shalt  }
0x62: {  	_ =	shalt  }
0x63: {  	_ =	shalt  }
0x64: {  	_ =	shalt  }
0x65: {  	_ =	shalt  }
0x66: {  	_ =	shalt  }
0x67: {  	_ =	shalt  }
0x68: {  	_ =	shalt  }
0x69: {  	_ =	shalt  }
0x6a: {  	_ =	shalt  }
0x6b: {  	_ =	shalt  }
0x6c: {  	_ =	shalt  }
0x6d: {  	_ =	shalt  }
0x6e: {  	_ =	shalt  }
0x6f: {  	_ =	shalt  }
0x70: {  	_ =	shalt  }
0x71: {  	_ =	shalt  }
0x72: {  	_ =	shalt  }
0x73: {  	_ =	shalt  }
0x74: {  	_ =	shalt  }
0x75: {  	_ =	shalt  }
0x76: {  	_ =	shalt  }
0x77: {  	_ =	shalt  }
0x78: {  	_ =	shalt  }
0x79: {  	_ =	shalt  }
0x7a: {  	_ =	shalt  }
0x7b: {  	_ =	shalt  }
0x7c: {  	_ =	shalt  }
0x7d: {  	_ =	shalt  }
0x7e: {  	_ =	shalt  }
0x7f: {  	_ =	shalt  }
0x80: {  	_ =	shalt  }
0x81: {  	_ =	shalt  }
0x82: {  	_ =	shalt  }
0x83: {  	_ =	shalt  }
0x84: {  	_ =	shalt  }
0x85: {  	_ =	shalt  }
0x86: {  	_ =	shalt  }
0x87: {  	_ =	shalt  }
.Lfunc_end0:
.L_simem_size_0:
called_computation_lowered:
.L_overlay_start_0:
0x88: {  	s2 =	sld [smem:$0x3FD9]  }
0x89: {  	s3 =	sld [smem:$0x3FFE];
	_ =	sdelay $0x1  }
0x8a: {  	s1 =	srdreg.scid  }
0x8b: {  	s0 =	sand.u32 $0x1, s1  }
0x8c: {  	s18 =	sshll.u32 s0, $0xA;
	s2 =	sadd.s32 s3, s2  }
0x8d: {  	s2 =	sadd.s32 s2, s18  }
0x8e: {  	[smem:$0x3FC6] =	sst s2  }
0x8f: {  	_ = 	snop  }
0x90: {  	s2 =	sld [smem:$0x3FC9]  }
0x91: {  	s19 =	sld [smem:$0x3FC8]  }
0x92: {  	s4 =	sld [smem:$0x3FD0];
	(tm) =	ssettm $0x1  }
0x93: {  	s5 =	sld [smem:$0x3FFB];
	_ =	sdelay $0x3  }
0x94: {  	_ =	strace s5  }
0x95: {  	s5 =	sld [smem:$0x3FFC];
	_ =	sdelay $0x3  }
0x96: {  	_ =	strace s5  }
0x97: {  	s5 =	sld [smem:$0x3FFD];
	_ =	sdelay $0x3  }
0x98: {  	_ =	strace s5  }
0x99: {  	_ =	strace $0x8FFFFFFF  }
0x9a: {  	s20 =	sld [smem:$0x3FDB];
	_ =	sdelay $0x1  }
0x9b: {  	s6 =	simm.s32 $_scs_section_size  }
0x9c: {  	s7 =	simm.s32 $_size__tile_overlayer_lowered;
	s8 =	simm.s32 $_tile_overlayer_lowered  }
0x9d: {  	s23 =	simm.s32 $0x1BFF;
	s22 =	sshll.u32 s8, $0x1;
	s5 =	sadd.s32 s6, s20  }
0x9e: {  	s9 =	simm.s32 $0x0;
	s21 =	sshll.u32 s7, $0x1;
	s7 =	sadd.s32 s22, s5  }
0x9f: {  	[timem:s9], [sflag:s23] =	dma.local [hbm:s7], s21  }
0xa0: {  	_ =	swait.ge [sflag:s23], s21  }
0xa1: {  	s6 =	ssub.s32 $0x0, s21;
	[sflag:s23] =	ssyncset.done $0x0  }
0xa2: {  	[sflag:s23] =	ssyncadd.s32 s6;
	_ =	sdelay $0x1  }
0xa3: {  	s24 =	simm.s32 $0x1B8B  }
0xa4: {  	_ =	swait.ge [sflag:s24], $0x1  }
0xa5: {  	[sflag:s24] =	ssyncset.done $0x0  }
0xa6: {  	s25 =	simm.s32 $0x1B8E;
	[sflag:s24] =	ssyncadd.s32 $0xFFFFFFFF  }
0xa7: {  	s26 =	simm.s32 $execute0_lowered;
	[smem:$0x3FD2] =	sst s25  }
0xa8: {  	s6 =	sshll.u32 s26, $0x1;
	_ =	strace $0x80000046;
	[dreg:$0x1] =	wrdreg $0xFFFFFFFF  }
0xa9: {  	s28 =	simm.s32 $_size_execute0_lowered;
	s5 =	sadd.s32 s5, s6;
	[dreg:$0x0] =	wrdreg $0x0  }
0xaa: {  	s6 =	sshll.u32 s28, $0x1;
	[dreg:$0x2] =	wrdreg s5  }
0xab: {  	[dreg:$0x3] =	wrdreg s6  }
0xac: {  	[dreg:$0x4] =	wrdreg $0xC0  }
0xad: {  	_ =	task [dreg:s9], $0x5FFFF  }
0xae: {  	[dreg:$0x1] =	wrdreg $0xFFFFFFFF  }
0xaf: {  	[dreg:$0x0] =	wrdreg $0x60  }
0xb0: {  	[dreg:$0x2] =	wrdreg s2  }
0xb1: {  	[dreg:$0x3] =	wrdreg s19  }
0xb2: {  	[dreg:$0x4] =	wrdreg s4  }
0xb3: {  	[dreg:$0x5] =	wrdreg $0x41000  }
0xb4: {  	[dreg:$0x6] =	wrdreg $0x9  }
0xb5: {  	_ =	task.clear_ibuf [dreg:s9], $0x7FFFF;
	_ =	strace $0x90000046  }
0xb6: {  	s29 =	simm.s32 $0x9;
	_ =	strace $0x80000048  }
0xb7: {  	_ =	swait.ge [sflag:s29], $0x1  }
0xb8: {  	[sflag:s29] =	ssyncadd.s32 $0xFFFFFFFF  }
0xb9: {  	_ =	strace $0x90000048  }
0xba: {  	_ =	sfence  }
0xbb: {  	s30 =	sld [smem:$0x0];
	_ =	sdelay $0x2  }
0xbc: {  	s31 =	sshll.u32 s1, $0xD;
	s1 =	sshrl.u32 s1, $0x2  }
0xbd: {  	s3 =	sand.u32 $0x4000, s31;
	s1 =	sadd.s32 s1, s30  }
0xbe: {  	s0 =	sor.u32 s3, s0;
	s1 =	sshll.u32 s1, $0x11  }
0xbf: {  	s0 =	sor.u32 s1, s0  }
0xc0: {  	s0 =	sadd.s32 $0x8F2B, s0  }
0xc1: {  	[sflag:s0] =	ssyncadd.remote.s32 $0x1  }
0xc2: {  	_ =	sfence.sel $0xFFFF  }
0xc3: {  	[dreg:$0x0] =	wrdreg $0xFFFFFFFF;
	(pc) =	sbr.abs _section_cstart, $3  }
0xc4: {  	[dreg:$0x1] =	wrdreg $0xFFFFFFFF  }
0xc5: {  	_ =	task.clear_ibuf [dreg:s9], $0x2FFFF;
	_ =	strace $0x9FFFFFFF  }
0xc6: {  	(tm) =	ssettm $0x7FFFFFFF  }
0xc7: {  	_ =	shalt  }
tec
execute0_lowered:
.L_overlay_start_1:
0x0: {  	(tag) =	ssettag $0x1  }
0x1: {  	s5 =	rddreg [dreg:$0x0]  }
0x2: {  	s0 =	rddreg [dreg:$0x1]  }
0x3: {  	s1 =	rddreg [dreg:$0x2];
	s2 =	srdreg.scid  }
0x4: {  	s12 =	stileid.u32;
	s3 =	rddreg [dreg:$0x3];
	s4 =	simm.s32 $0x0  }
0x5: {  	s17 =	simm.s32 $0x8150;
	s18 =	simm.s32 $0x3;
	s19 =	simm.s32 $0x100  }
0x6: {  	s20 =	simm.s32 $0x2;
	s21 =	simm.s32 $0x4;
	s29 =	smul.u32 $0x410000, s12  }
0x7: {  	s22 =	simm.s32 $0x4080;
	s10 =	sand.u32 $0x1, s2;
	s15 =	smul.u32 $0x82000, s12  }
0x8: {  	s23 =	simm.s32 $0x0;
	s6 =	sshll.u32 s12, $0x1;
	s14 =	smul.u32 $0x208000, s10  }
0x9: {  	s2 =	rddreg [dreg:$0x4];
	s6 =	sor.u32 s10, s6;
	s16 =	smul.u32 $0x41000, s10  }
0xa: {  	[smem:$0x7FF] =	sst s4;
	p0 =	sne.s32 s12, $0x0;
	s7 =	smul.u32 $0x4100, s6  }
0xb: {  	_ =	strace $0x80000047;
	s8 =	ssub.s32 $0x2, s10;
	s9 =	smul.u32 $0x208000, s6  }
0xc: {  	s11 =	sshrl.u32 s8, $0x1;
	s13 =	smul.u32 $0x41000, s6;
	s31 =	sadd.s32 s15, s1  }
0xd: {  	s15 =	simm.s32 $0x80;
	s28 =	ssub.s32 s8, s11;
	s11 =	sadd.s32 s14, s29  }
0xe: {  	s14 =	simm.s32 $0x1;
	s7 =	sshrl.u32 s7, $0x3;
	s6 =	smax.u32 s28, $0x1  }
0xf: {  	s30 =	sshrl.u32 s9, $0x3;
	s13 =	sadd.s32 s1, s13;
	s11 =	sadd.s32 $0x8000, s11  }
0x10: {  	s5 =	sadd.s32 s5, s7;
	s7 =	sadd.s32 s1, s30;
	s8 =	sadd.s32 $0x800, s13  }
0x11: {  	s10 =	sadd.s32 $0x40800, s13;
	s13 =	sadd.s32 s16, s31;
	s16 =	simm.s32 $0x4150  }
0x12: {  	s9 =	sadd.s32 $0x40000, s7;
	s12 =	sadd.s32 $0x1800, s13;
	s13 =	sshrl.u32 @!p0 s3, $0x3  }
.LBB2_1:
0x13: {  	[tilespmem:s4], [sflag:$0x1] =	stream.linear.gather [hbm4b:s5+s4], $0x4100, $0x38;
	[tilespmem:$0xC150] =	vst v63  }
0x14: {  	s24 =	simm.s32 @!p0 $0x1C05  }
0x15: {  	[spmem:s13], [sflag:s24] =	dma.local @!p0 [hbm:s0], $0xA0  }
0x16: {  	s24 =	simm.s32 @!p0 $0x5  }
0x17: {  	_ =	swait.ge @!p0 [sflag:s24], $0xA0  }
0x18: {  	[sflag:s24] =	ssyncset.done @!p0 $0x0  }
0x19: {  	[sflag:s24] =	ssyncadd.s32 @!p0 $0xFFFFFF60  }
0x1a: {  	[bflag:$0x0] =	sbarrier.arrive $0xFFFF  }
0x1b: {  	_ =	swait.ge [sflag:s14], $0x4100  }
0x1c: {  	[sflag:s14] =	ssyncset.done $0x0  }
0x1d: {  	[sflag:s14] =	ssyncadd.s32 $0xFFFFBF00  }
0x1e: {  	[tilespmem:s16], [sflag:$0x1] =	stream.indirect.gather [spmem:s3], $0x80, s4, s15, $0xb8;
	[tilespmem:$0xC150] =	vst v63  }
0x1f: {  	_ = 	snop  }
0x20: {  	[tilespmem:s17], [sflag:$0x2] =	stream.indirect.gather [spmem:s3], $0x80, s15, s15, $0xb8;
	[tilespmem:$0xC150] =	vst v63  }
0x21: {  	_ =	swait.ge [sflag:s14], $0x4000  }
0x22: {  	[sflag:s14] =	ssyncset.done $0x0  }
0x23: {  	[sflag:s14] =	ssyncadd.s32 $0xFFFFC000  }
0x24: {  	[hbm4b:s7+s4] =	stream.linear.scatter [tilespmem:s16], [sflag:$0x3], $0x4000, $0x38;
	[tilespmem:$0xC150] =	vst v63  }
0x25: {  	_ =	swait.ge [sflag:s18], $0x4000  }
0x26: {  	[sflag:s18] =	ssyncset.done $0x0  }
0x27: {  	[sflag:s18] =	ssyncadd.s32 $0xFFFFC000  }
0x28: {  	[tilespmem:s16], [sflag:$0x1] =	stream.indirect.gather [spmem:s3], $0x80, s19, s15, $0xb8;
	[tilespmem:$0xC150] =	vst v63  }
0x29: {  	_ =	swait.ge [sflag:s20], $0x4000  }
0x2a: {  	[sflag:s20] =	ssyncset.done $0x0  }
0x2b: {  	[sflag:s20] =	ssyncadd.s32 $0xFFFFC000  }
0x2c: {  	[hbm4b:s8+s4] =	stream.linear.scatter [tilespmem:s17], [sflag:$0x4], $0x4000, $0x38;
	[tilespmem:$0xC150] =	vst v63  }
0x2d: {  	_ =	swait.ge [sflag:s21], $0x4000  }
0x2e: {  	[sflag:s21] =	ssyncset.done $0x0  }
0x2f: {  	s29 =	simm.s32 $0x180;
	[sflag:s21] =	ssyncadd.s32 $0xFFFFC000  }
0x30: {  	[tilespmem:s17], [sflag:$0x2] =	stream.indirect.gather [spmem:s3], $0x80, s29, s15, $0xb8;
	[tilespmem:$0xC150] =	vst v63  }
0x31: {  	_ =	swait.ge [sflag:s14], $0x4000  }
0x32: {  	s30 =	sshrl.u32 s11, $0x3;
	[sflag:s14] =	ssyncset.done $0x0  }
0x33: {  	s24 =	sadd.s32 s1, s30;
	[sflag:s14] =	ssyncadd.s32 $0xFFFFC000  }
0x34: {  	[hbm4b:s24+s4] =	stream.linear.scatter [tilespmem:s16], [sflag:$0x3], $0x4000, $0x38;
	[tilespmem:$0xC150] =	vst v63  }
0x35: {  	_ =	swait.ge [sflag:s18], $0x4000  }
0x36: {  	[sflag:s18] =	ssyncset.done $0x0  }
0x37: {  	s31 =	simm.s32 $0x200;
	[sflag:s18] =	ssyncadd.s32 $0xFFFFC000  }
0x38: {  	[tilespmem:s16], [sflag:$0x1] =	stream.indirect.gather [spmem:s3], $0x80, s31, s15, $0xb8;
	[tilespmem:$0xC150] =	vst v63  }
0x39: {  	_ =	swait.ge [sflag:s20], $0x4000  }
0x3a: {  	s25 =	sadd.s32 $0x8000, s11;
	s28 =	sadd.s32 $0x0, s12;
	[sflag:s20] =	ssyncset.done $0x0  }
0x3b: {  	s26 =	simm.s32 $0x300;
	s24 =	simm.s32 $0x1000;
	[sflag:s20] =	ssyncadd.s32 $0xFFFFC000  }
.LBB2_2:
0x3c: {  	[hbm4b:s28+s4] =	stream.linear.scatter [tilespmem:s17], [sflag:$0x4], $0x4000, $0x38;
	[tilespmem:$0xC150] =	vst v63  }
0x3d: {  	s28 =	smov.u32 s24  }
0x3e: {  	p1 =	sne.s32 s24, $0x3E000;
	s24 =	sadd.s32 $0x1000, s24;
	_ =	swait.ge [sflag:s21], $0x4000  }
0x3f: {  	[sflag:s21] =	ssyncset.done $0x0  }
0x40: {  	s29 =	sadd.s32 $0xFFFFFF80, s26;
	[sflag:s21] =	ssyncadd.s32 $0xFFFFC000  }
0x41: {  	[tilespmem:s17], [sflag:$0x2] =	stream.indirect.gather [spmem:s3], $0x80, s29, s15, $0xb8;
	[tilespmem:$0xC150] =	vst v63  }
0x42: {  	_ =	swait.ge [sflag:s14], $0x4000  }
0x43: {  	s29 =	sshrl.u32 s25, $0x3;
	[sflag:s14] =	ssyncset.done $0x0  }
0x44: {  	s29 =	sadd.s32 s1, s29;
	[sflag:s14] =	ssyncadd.s32 $0xFFFFC000  }
0x45: {  	[hbm4b:s29+s4] =	stream.linear.scatter [tilespmem:s16], [sflag:$0x3], $0x4000, $0x38;
	[tilespmem:$0xC150] =	vst v63  }
0x46: {  	_ =	swait.ge [sflag:s18], $0x4000  }
0x47: {  	[sflag:s18] =	ssyncset.done $0x0  }
.Ltmp0:
0x48: {  	[sflag:s18] =	ssyncadd.s32 $0xFFFFC000;
	(pc) =	sbr.rel @p1 .LBB2_2-.Ltmp0, $4  }
0x49: {  	[tilespmem:s16], [sflag:$0x1] =	stream.indirect.gather [spmem:s3], $0x80, s26, s15, $0xb8;
	[tilespmem:$0xC150] =	vst v63  }
0x4a: {  	_ =	swait.ge [sflag:s20], $0x4000  }
0x4b: {  	s25 =	sadd.s32 $0x8000, s25;
	[sflag:s20] =	ssyncset.done $0x0  }
0x4c: {  	s28 =	sadd.s32 s28, s12;
	s26 =	sadd.s32 $0x100, s26;
	[sflag:s20] =	ssyncadd.s32 $0xFFFFC000  }
0x4d: {  	[hbm4b:s28+s4] =	stream.linear.scatter [tilespmem:s17], [sflag:$0x4], $0x4000, $0x38;
	[tilespmem:$0xC150] =	vst v63  }
0x4e: {  	_ =	swait.ge [sflag:s21], $0x4000  }
0x4f: {  	[sflag:s21] =	ssyncset.done $0x0  }
0x50: {  	[sflag:s21] =	ssyncadd.s32 $0xFFFFC000  }
0x51: {  	[tilespmem:s17], [sflag:$0x2] =	stream.indirect.gather [spmem:s3], $0x80, s22, s15, $0xb8;
	[tilespmem:$0xC150] =	vst v63  }
0x52: {  	_ =	swait.ge [sflag:s14], $0x4000  }
0x53: {  	[sflag:s14] =	ssyncset.done $0x0  }
0x54: {  	[sflag:s14] =	ssyncadd.s32 $0xFFFFC000  }
0x55: {  	[hbm4b:s9+s4] =	stream.linear.scatter [tilespmem:s16], [sflag:$0x3], $0x4000, $0x38;
	[tilespmem:$0xC150] =	vst v63  }
0x56: {  	_ =	swait.ge [sflag:s18], $0x4000  }
0x57: {  	[sflag:s18] =	ssyncset.done $0x0  }
0x58: {  	[sflag:s18] =	ssyncadd.s32 $0xFFFFC000  }
0x59: {  	s23 =	sadd.s32 $0x1, s23;
	_ =	swait.ge [sflag:s20], $0x4000  }
0x5a: {  	p1 =	sne.s32 s23, s6;
	[sflag:s20] =	ssyncset.done $0x0  }
.Ltmp1:
0x5b: {  	[sflag:s20] =	ssyncadd.s32 $0xFFFFC000;
	(pc) =	sbr.rel @p1 .LBB2_1-.Ltmp1, $4  }
0x5c: {  	[hbm4b:s10+s4] =	stream.linear.scatter [tilespmem:s17], [sflag:$0x4], $0x4000, $0x38;
	[tilespmem:$0xC150] =	vst v63  }
0x5d: {  	_ =	swait.ge [sflag:s21], $0x4000  }
0x5e: {  	[sflag:s21] =	ssyncset.done $0x0  }
0x5f: {  	[sflag:s21] =	ssyncadd.s32 $0xFFFFC000  }
0x60: {  	_ =	sfence.sel $0x180000  }
0x61: {  	[bflag:$0x0] =	sbarrier.arrive $0xFFFF  }
0x62: {  	_ =	strace $0x90000047  }
0x63: {  	s0 =	sadd.s32 @!p0 $0x100000, s2;
	[bflag:$0x2] =	sbarrier.arrive $0xFFFF  }
0x64: {  	[sflag:s0] =	ssyncadd.tile.s32 @!p0 $0x1;
	_ =	shalt  }
.Lfunc_end2:
_tile_overlayer_lowered:
.L_overlay_start_2:
0x65: {  	(tag) =	ssettag $0x2  }
0x66: {  	s0 =	rddreg [dreg:$0x0];
	s2 =	stileid.u32  }
0x67: {  	s1 =	rddreg [dreg:$0x1];
	p0 =	sne.s32 s2, $0x0  }
0x68: {  	s3 =	rddreg [dreg:$0x2];
	[bflag:$0x3] =	sbarrier.arrive $0xFFFF;
	s2 =	simm.s32 @!p0 $0x1C05  }
0x69: {  	[timem:s3], [sflag:s2] =	dma.local @!p0 [hbm:s0], s1  }
0x6a: {  	s0 =	simm.s32 @!p0 $0x5  }
0x6b: {  	_ =	swait.ge @!p0 [sflag:s0], s1  }
0x6c: {  	s1 =	ssub.s32 @!p0 $0x0, s1;
	[sflag:s0] =	ssyncset.done @!p0 $0x0  }
0x6d: {  	[sflag:s0] =	ssyncadd.s32 @!p0 s1  }
0x6e: {  	[bflag:$0x3] =	sbarrier.arrive $0xFFFF  }
0x6f: {  	_ =	shalt  }

</sc_bundles>
